<compile_context>
chip_gen: v7x
topology: tpu7x:2x2x1
jax: 0.10.2.dev20260603
libtpu: 0.0.44.dev20260713+nightly
codegen_flags: <defaults>
</compile_context>

<pallas_src>
import functools

import jax
import jax.numpy as jnp
from jax import lax
from jax.experimental import pallas as pl
from jax.experimental.pallas import tpu as pltpu
from jax.experimental.pallas import tpu_sc as plsc

_N = 50000
_D = 256
_H = 256
_B = 64
_MAXC = 100
_T = 2 * _B
_BLK = 5000
_NB = _N // _BLK
_NSTREAM = 1
_G = _NB // _NSTREAM

_PREC = jax.lax.Precision.DEFAULT
_PREC_STREAM = jax.lax.Precision.DEFAULT


def _sc_prep_body(feat_hbm, idx_hbm, ta_out, idx_v, rows_v, sem):
    wid = lax.axis_index("s") * 2 + lax.axis_index("c")

    @pl.when(wid < 8)
    def _gather_anchor_rows():
        base = wid * 8
        pltpu.sync_copy(idx_hbm.at[pl.ds(base, 8)], idx_v)
        pltpu.async_copy(feat_hbm.at[idx_v], rows_v, sem).wait()
        pltpu.sync_copy(rows_v, ta_out.at[pl.ds(base, 8)])


def _sc_prep(features, indexes):
    mesh = plsc.VectorSubcoreMesh(core_axis_name="c", subcore_axis_name="s")
    fn = functools.partial(
        pl.kernel, mesh=mesh,
        out_type=jax.ShapeDtypeStruct((_B, _D), jnp.float32),
        scratch_types=[
            pltpu.VMEM((8,), jnp.int32),
            pltpu.VMEM((8, _D), jnp.float32),
            pltpu.SemaphoreType.DMA,
        ],
    )(_sc_prep_body)
    return fn(features, indexes)


def _split(x):
    xh = x.astype(jnp.bfloat16).astype(jnp.float32)
    return xh, x - xh


def _dot3(ah, al, bh, bl, dims):
    dn = (dims, ((), ()))
    kw = dict(preferred_element_type=jnp.float32,
              precision=jax.lax.Precision.DEFAULT)
    return (jax.lax.dot_general(ah, bh, dn, **kw)
            + jax.lax.dot_general(al, bh, dn, **kw)
            + jax.lax.dot_general(ah, bl, dn, **kw))


def _process_block(f, lbl, blk_idx, ta64, tl, tanch, counts_s, agg_s):
    u64 = jax.lax.dot_general(ta64, f, (((1,), (1,)), ((), ())),
                              preferred_element_type=jnp.float32,
                              precision=_PREC_STREAM)

    iota_row = jax.lax.broadcasted_iota(jnp.int32, (1, _BLK), 1)
    match = (tl == lbl) & ((tanch - blk_idx * _BLK) != iota_row)
    m_f = match.astype(jnp.float32)
    total = jnp.sum(m_f, axis=1, keepdims=True)
    cprev = counts_s[...]

    simple_ok = (cprev + total) <= float(_MAXC)
    u = jnp.concatenate([u64, u64], axis=0)
    w = jnp.where(match & simple_ok, u, 0.0)
    agg_s[...] += jax.lax.dot_general(w, f, (((1,), (0,)), ((), ())),
                                      preferred_element_type=jnp.float32,
                                      precision=_PREC_STREAM)

    crossing = (cprev < float(_MAXC)) & (cprev + total > float(_MAXC))

    @pl.when(jnp.any(crossing))
    def _exact():
        chunk = 1000
        r = jax.lax.broadcasted_iota(jnp.int32, (chunk, chunk), 0)
        c = jax.lax.broadcasted_iota(jnp.int32, (chunk, chunk), 1)
        triu = (r < c).astype(jnp.float32)
        run = cprev
        for s in range(_BLK // chunk):
            sl = slice(s * chunk, (s + 1) * chunk)
            m_c = m_f[:, sl]
            rank = run + jax.lax.dot_general(
                m_c, triu, (((1,), (0,)), ((), ())),
                preferred_element_type=jnp.float32, precision=_PREC)
            take_cx = match[:, sl] & crossing & (rank < float(_MAXC))
            u_c = jnp.concatenate([u64[:, sl], u64[:, sl]], axis=0)
            w_cx = jnp.where(take_cx, u_c, 0.0)
            agg_s[...] += jax.lax.dot_general(
                w_cx, f[sl, :], (((1,), (0,)), ((), ())),
                preferred_element_type=jnp.float32, precision=_PREC)
            run = run + jnp.sum(m_c, axis=1, keepdims=True)

    counts_s[...] = cprev + total


def _main_body(fa_ref, la_ref, ta_ref, tl_ref, tanch_ref,
               tact_ref, wc_ref, bc_ref, w1_ref, b1_ref, pw_ref, w2_ref,
               b2_ref, out_ref, counts_s, agg_s):
    g = pl.program_id(0)

    ta64 = ta_ref[...]

    @pl.when(g == 0)
    def _init():
        tah = ta64.astype(jnp.bfloat16).astype(jnp.float32)
        n2 = jnp.sum(tah * tah, axis=1, keepdims=True)
        n2r = n2.astype(jnp.bfloat16).astype(jnp.float32)
        self_term = n2r * tah
        agg_s[...] = jnp.concatenate([self_term, self_term], axis=0)
        counts_s[...] = jnp.zeros_like(counts_s)

    tl = tl_ref[...]
    tanch = tanch_ref[...]

    _process_block(fa_ref[...], la_ref[0], g, ta64, tl, tanch,
                   counts_s, agg_s)

    @pl.when(g == _G - 1)
    def _epilogue():
        ta128 = jnp.concatenate([ta64, ta64], axis=0)
        xin = jnp.concatenate([ta128, agg_s[...]], axis=1)
        h = jnp.maximum(
            jax.lax.dot_general(xin, wc_ref[...], (((1,), (0,)), ((), ())),
                                preferred_element_type=jnp.float32,
                                precision=_PREC) + bc_ref[0, :][None, :], 0.0)
        z = jax.lax.dot_general(h, w1_ref[...], (((1,), (0,)), ((), ())),
                                preferred_element_type=jnp.float32,
                                precision=_PREC) + b1_ref[0, :][None, :]
        pw = pw_ref[0, :][None, :]
        z = jnp.maximum(z, 0.0) + pw * jnp.minimum(z, 0.0)
        lg = jax.lax.dot_general(z, w2_ref[...], (((1,), (0,)), ((), ())),
                                 preferred_element_type=jnp.float32,
                                 precision=_PREC) + b2_ref[0, :][None, :]
        l0 = lg[:, 0:1]
        l1 = lg[:, 1:2]
        m = jnp.maximum(l0, l1)
        term = m + jnp.log(jnp.exp(l0 - m) + jnp.exp(l1 - m)) - l0
        cnt_ok = (counts_s[...] > 0.0).astype(jnp.float32)
        valid = tact_ref[...] * cnt_ok
        loss = jnp.sum(term * valid) * (10.0 / float(_B))
        out_ref[...] = jnp.reshape(loss, (1, 1))


@functools.partial(jax.jit, static_argnames=("interpret",))
def _run(indexes, features, labels, domain, neighbors, all_pred,
         W_conv, b_conv, W1, b1, prelu_w, W2, b2, interpret=False):
    indexes = indexes.astype(jnp.int32)
    labels = labels.astype(jnp.int32)
    neighbors = neighbors.astype(jnp.int32)

    ta64 = _sc_prep(features, indexes)

    lab_nb = labels[neighbors]
    lab_a = lab_nb[:, 0]
    lab_b = lab_nb[:, 1]
    has_b = all_pred[:, 1] >= all_pred[:, 0]
    distinct = has_b & (lab_b != lab_a)
    first = jnp.where(distinct, jnp.minimum(lab_a, lab_b), lab_a)
    second = jnp.maximum(lab_a, lab_b)
    task_labels = jnp.concatenate([first, second], axis=0)
    task_anchor = jnp.concatenate([indexes, indexes], axis=0)
    task_active = jnp.concatenate(
        [jnp.ones((_B,), jnp.float32), distinct.astype(jnp.float32)], axis=0)

    w2p = jnp.zeros((_H, 128), jnp.float32).at[:, :2].set(W2)
    b2p = jnp.zeros((128,), jnp.float32).at[:2].set(b2)

    lbl3 = labels.reshape(_NB, 1, _BLK)

    full = lambda shape: pl.BlockSpec(shape, lambda g: tuple(0 for _ in shape))
    out = pl.pallas_call(
        _main_body,
        grid=(_G,),
        in_specs=[
            pl.BlockSpec((_BLK, _D), lambda g: (g, 0)),
            pl.BlockSpec((1, 1, _BLK), lambda g: (g, 0, 0)),
            full((_B, _D)),
            full((_T, 1)),
            full((_T, 1)),
            full((_T, 1)),
            full((2 * _D, _H)),
            full((1, _H)),
            full((_H, _H)),
            full((1, _H)),
            full((1, _H)),
            full((_H, 128)),
            full((1, 128)),
        ],
        out_specs=pl.BlockSpec((1, 1), lambda g: (0, 0)),
        out_shape=jax.ShapeDtypeStruct((1, 1), jnp.float32),
        scratch_shapes=[
            pltpu.VMEM((_T, 1), jnp.float32),
            pltpu.VMEM((_T, _D), jnp.float32),
        ],
        compiler_params=pltpu.CompilerParams(
            dimension_semantics=("arbitrary",)),
        interpret=interpret,
    )(features, lbl3, ta64,
      task_labels.reshape(_T, 1), task_anchor.reshape(_T, 1),
      task_active.reshape(_T, 1),
      W_conv, b_conv.reshape(1, _H), W1, b1.reshape(1, _H),
      prelu_w.reshape(1, _H), w2p, b2p.reshape(1, 128))

    total = out[0, 0]
    return jnp.where(domain != 0, total, jnp.array(0.0, jnp.float32))


def kernel(indexes, features, labels, domain, neighbors, all_pred,
           W_conv, b_conv, W1, b1, prelu_w, W2, b2):
    return _run(indexes, features, labels, domain, neighbors, all_pred,
                W_conv, b_conv, W1, b1, prelu_w, W2, b2)

# --- scband reference (transcript-rebuilt; emitter-appended) ---
"""Pipeline reference for scband-gcn-l-63745904607633 (READ-ONLY COPY).

The authoritative reference and input builder live on the scoring server;
editing this copy changes nothing except your own understanding.
"""

import jax, jax.numpy as jnp
import numpy as np

N = 50000; D = 256; H = 256; B = 64; K = 2; C = 1000
TOPK = 2; MAXC = 100


def setup_inputs(seed: int = 0):
    key = jax.random.key(seed)
    ks = jax.random.split(key, 10)
    s = 0.05
    return {
        "indexes": jax.random.randint(ks[0], (B,), 0, N),
        "features": jax.random.normal(ks[1], (N, D), jnp.float32),
        "labels": jax.random.randint(ks[2], (N,), 0, C),
        "domain": 1,
        "neighbors": jax.random.randint(ks[3], (B, K), 0, N),
        "all_pred": jax.random.uniform(ks[4], (B, K), dtype=jnp.float32),
        "W_conv": jax.random.normal(ks[5], (2 * D, H), jnp.float32) * s,
        "b_conv": jnp.zeros((H,), jnp.float32),
        "W1": jax.random.normal(ks[6], (H, H), jnp.float32) * s,
        "b1": jnp.zeros((H,), jnp.float32),
        "prelu_w": jnp.full((H,), 0.25, jnp.float32),
        "W2": jax.random.normal(ks[7], (H, 2), jnp.float32) * s,
        "b2": jnp.zeros((2,), jnp.float32),
    }


def _task_term(lab, active, anchor, features, labels, W_conv, b_conv, W1, b1, prelu_w, W2, b2):
    n = labels.shape[0]
    idx = jnp.arange(n, dtype=jnp.int32)
    match = (labels == lab) & (idx != anchor)
    rank = jnp.cumsum(match) - 1
    take = match & (rank < MAXC)
    pos = jnp.where(take, rank, MAXC)
    slots = jnp.zeros((MAXC + 1,), jnp.int32).at[pos].set(idx)
    count = jnp.minimum(jnp.sum(match), MAXC)
    row_mask = jnp.arange(MAXC) < count
    rows_feat = features[slots[:MAXC]] * row_mask[:, None].astype(features.dtype)
    x = jnp.concatenate([features[anchor][None, :], rows_feat], axis=0)
    adj = x @ x.T
    # GraphConv with MeanAggregator: agg = A @ x, concat, linear, relu (dropout=0)
    agg = adj @ x
    h = jnp.maximum(jnp.concatenate([x, agg], axis=-1) @ W_conv + b_conv, 0.0)
    z = h @ W1 + b1
    z = jnp.maximum(z, 0.0) + prelu_w * jnp.minimum(z, 0.0)
    logits = z @ W2 + b2
    p0 = logits[0]
    # labels[anchor] was set to -1, so gt is always class 0: CE(p0, 0)
    term = jax.scipy.special.logsumexp(p0) - p0[0]
    return jnp.where(active & (count > 0), term, jnp.zeros((), jnp.float32))


def reference(indexes, features, labels, domain, neighbors, all_pred, W_conv, b_conv, W1, b1, prelu_w, W2, b2):
    n_index = indexes.shape[0]

    def body(loss, xs):
        anchor, nb, pred = xs
        nb = nb[:TOPK]
        pred = pred[:TOPK]
        lab_a = labels[nb[0]]
        lab_b = labels[nb[1]]
        has_b = pred[1] >= pred[0]
        distinct = has_b & (lab_b != lab_a)
        first = jnp.where(distinct, jnp.minimum(lab_a, lab_b), lab_a)
        second = jnp.maximum(lab_a, lab_b)
        loss = loss + _task_term(first, jnp.array(True), anchor, features, labels,
                                 W_conv, b_conv, W1, b1, prelu_w, W2, b2)
        loss = loss + _task_term(second, distinct, anchor, features, labels,
                                 W_conv, b_conv, W1, b1, prelu_w, W2, b2)
        return loss, None

    loss, _ = jax.lax.scan(body, jnp.zeros((), jnp.float32), (indexes, neighbors, all_pred))
    total = loss / n_index * 10.0
    return jnp.where(domain != 0, total, jnp.zeros((), jnp.float32))

if __name__ == "__main__":
    import jax
    _d = setup_inputs()
    print(jax.jit(kernel)(*tuple(_d.values())))

</pallas_src>

<mosaic_0001>
#map = affine_map<(d0, d1) -> (0, 0)>
#map1 = affine_map<(d0, d1) -> (0)>
module attributes {stable_mosaic.version = 14 : i64} {
  func.func @_sc_prep_body(%arg0: i32, %arg1: i32, %arg2: memref<50000x256xf32, #tpu.memory_space<hbm>>, %arg3: memref<64xi32, #tpu.memory_space<hbm>>, %arg4: memref<64x256xf32, #tpu.memory_space<hbm>>, %arg5: memref<8xi32, #tpu.memory_space<vmem>>, %arg6: memref<8x256xf32, #tpu.memory_space<vmem>>, %arg7: memref<!tpu.dma_semaphore, #tpu.memory_space<semaphore_mem>>) attributes {dimension_semantics = [#tpu.dimension_semantics<core_parallel>, #tpu.dimension_semantics<subcore_parallel>], iteration_bounds = array<i64: 2, 16>, scalar_prefetch = 0 : i64, scratch_operands = 3 : i64, tpu.core_type = #tpu.core_type<sc_vector_subcore>, window_params = [{transform_indices = #map}, {transform_indices = #map1}, {transform_indices = #map}]} {
    %mul3A = arith.constant 2 : i32
    %mul3A_0 = arith.muli %arg1, %mul3A : i32
    %add3A = arith.addi %mul3A_0, %arg0 : i32
    %lt3A = arith.constant 8 : i32
    %lt3A_1 = arith.cmpi slt, %add3A, %lt3A : i32
    %convert_element_type3A = arith.extui %lt3A_1 : i1 to i32
    %cond3A = arith.constant 0 : i32
    %cond3A_2 = arith.cmpi ne, %convert_element_type3A, %cond3A : i32
    scf.if %cond3A_2 {
      %mul3A_3 = arith.constant 8 : i32
      %mul3A_4 = arith.muli %add3A, %mul3A_3 : i32
      "tpu.region"() ({
        %run_scoped3A = tpu.sem_alloc : memref<!tpu.dma_semaphore, #tpu.memory_space<semaphore_mem>>
        %dma_start3A_9 = tpu.memref_slice %arg3[%mul3A_4] : memref<64xi32, #tpu.memory_space<hbm>> -> memref<8xi32, #tpu.memory_space<hbm>>
        %dma_start3A_10 = tpu.memref_slice %arg3[%mul3A_4] : memref<64xi32, #tpu.memory_space<hbm>> -> memref<8xi32, #tpu.memory_space<hbm>>
        tpu.enqueue_dma source(%dma_start3A_10 : memref<8xi32, #tpu.memory_space<hbm>>) target(%arg5 : memref<8xi32, #tpu.memory_space<vmem>>) target_semaphore(%run_scoped3A : memref<!tpu.dma_semaphore, #tpu.memory_space<semaphore_mem>>)
        %dma_wait3A_11 = tpu.memref_slice %arg3[%mul3A_4] : memref<64xi32, #tpu.memory_space<hbm>> -> memref<8xi32, #tpu.memory_space<hbm>>
        %dma_wait3A_12 = tpu.memref_slice %arg3[%mul3A_4] : memref<64xi32, #tpu.memory_space<hbm>> -> memref<8xi32, #tpu.memory_space<hbm>>
        tpu.wait_dma2 semaphore(%run_scoped3A : memref<!tpu.dma_semaphore, #tpu.memory_space<semaphore_mem>>) src(%dma_wait3A_12 : memref<8xi32, #tpu.memory_space<hbm>>) dst(%arg5 : memref<8xi32, #tpu.memory_space<vmem>>)
        tpu.yield
      }) : () -> ()
      %dma_start3A = arith.constant 0 : i32
      %dma_start3A_5 = arith.constant 0 : i32
      %dma_start3A_6 = tpu.memref_slice %arg2[%dma_start3A, %dma_start3A_5] : memref<50000x256xf32, #tpu.memory_space<hbm>> -> memref<50000x256xf32, #tpu.memory_space<hbm>>
      tpu.enqueue_indirect_dma source(%dma_start3A_6 : memref<50000x256xf32, #tpu.memory_space<hbm>>) target(%arg6 : memref<8x256xf32, #tpu.memory_space<vmem>>) offsets(%arg5 : memref<8xi32, #tpu.memory_space<vmem>>) semaphore(%arg7 : memref<!tpu.dma_semaphore, #tpu.memory_space<semaphore_mem>>)
      %dma_wait3A = arith.constant 0 : i32
      %dma_wait3A_7 = arith.constant 0 : i32
      %dma_wait3A_8 = tpu.memref_slice %arg2[%dma_wait3A, %dma_wait3A_7] : memref<50000x256xf32, #tpu.memory_space<hbm>> -> memref<50000x256xf32, #tpu.memory_space<hbm>>
      tpu.wait_indirect_dma semaphore(%arg7 : memref<!tpu.dma_semaphore, #tpu.memory_space<semaphore_mem>>) src(%dma_wait3A_8 : memref<50000x256xf32, #tpu.memory_space<hbm>>) dst(%arg6 : memref<8x256xf32, #tpu.memory_space<vmem>>)
      "tpu.region"() ({
        %run_scoped3A = tpu.sem_alloc : memref<!tpu.dma_semaphore, #tpu.memory_space<semaphore_mem>>
        %dma_start3A_9 = arith.constant 0 : i32
        %dma_start3A_10 = tpu.memref_slice %arg4[%mul3A_4, %dma_start3A_9] : memref<64x256xf32, #tpu.memory_space<hbm>> -> memref<8x256xf32, #tpu.memory_space<hbm>>
        %dma_start3A_11 = arith.constant 0 : i32
        %dma_start3A_12 = tpu.memref_slice %arg4[%mul3A_4, %dma_start3A_11] : memref<64x256xf32, #tpu.memory_space<hbm>> -> memref<8x256xf32, #tpu.memory_space<hbm>>
        tpu.enqueue_dma source(%arg6 : memref<8x256xf32, #tpu.memory_space<vmem>>) target(%dma_start3A_12 : memref<8x256xf32, #tpu.memory_space<hbm>>) target_semaphore(%run_scoped3A : memref<!tpu.dma_semaphore, #tpu.memory_space<semaphore_mem>>)
        %dma_wait3A_13 = arith.constant 0 : i32
        %dma_wait3A_14 = tpu.memref_slice %arg4[%mul3A_4, %dma_wait3A_13] : memref<64x256xf32, #tpu.memory_space<hbm>> -> memref<8x256xf32, #tpu.memory_space<hbm>>
        %dma_wait3A_15 = arith.constant 0 : i32
        %dma_wait3A_16 = tpu.memref_slice %arg4[%mul3A_4, %dma_wait3A_15] : memref<64x256xf32, #tpu.memory_space<hbm>> -> memref<8x256xf32, #tpu.memory_space<hbm>>
        tpu.wait_dma2 semaphore(%run_scoped3A : memref<!tpu.dma_semaphore, #tpu.memory_space<semaphore_mem>>) src(%arg6 : memref<8x256xf32, #tpu.memory_space<vmem>>) dst(%dma_wait3A_16 : memref<8x256xf32, #tpu.memory_space<hbm>>)
        tpu.yield
      }) : () -> ()
    } else {
    }
    return
  }
}

module attributes {stable_mosaic.version = 14 : i64} {
  func.func @_main_body(%arg0: i32, %arg1: memref<5000x256xf32, #tpu.memory_space<vmem>>, %arg2: memref<1x1x5000xi32, #tpu.memory_space<vmem>>, %arg3: memref<64x256xf32, #tpu.memory_space<vmem>>, %arg4: memref<128x1xi32, #tpu.memory_space<vmem>>, %arg5: memref<128x1xi32, #tpu.memory_space<vmem>>, %arg6: memref<128x1xf32, #tpu.memory_space<vmem>>, %arg7: memref<512x256xf32, #tpu.memory_space<vmem>>, %arg8: memref<1x256xf32, #tpu.memory_space<vmem>>, %arg9: memref<256x256xf32, #tpu.memory_space<vmem>>, %arg10: memref<1x256xf32, #tpu.memory_space<vmem>>, %arg11: memref<1x256xf32, #tpu.memory_space<vmem>>, %arg12: memref<256x128xf32, #tpu.memory_space<vmem>>, %arg13: memref<1x128xf32, #tpu.memory_space<vmem>>, %arg14: memref<1x1xf32, #tpu.memory_space<vmem>>, %arg15: memref<128x1xf32, #tpu.memory_space<vmem>>, %arg16: memref<128x256xf32, #tpu.memory_space<vmem>>) attributes {dimension_semantics = [#tpu.dimension_semantics<arbitrary>], iteration_bounds = array<i64: 10>, scalar_prefetch = 0 : i64, scratch_operands = 2 : i64, tpu.core_type = #tpu.core_type<tc>, window_params = [{transform_indices = @transform_0, window_bounds = array<i64: 5000, 256>}, {transform_indices = @transform_1, window_bounds = array<i64: 1, 1, 5000>}, {pipeline_mode = #tpu.pipeline_mode<synchronous>, transform_indices = @transform_2, window_bounds = array<i64: 64, 256>}, {pipeline_mode = #tpu.pipeline_mode<synchronous>, transform_indices = @transform_3, window_bounds = array<i64: 128, 1>}, {pipeline_mode = #tpu.pipeline_mode<synchronous>, transform_indices = @transform_4, window_bounds = array<i64: 128, 1>}, {pipeline_mode = #tpu.pipeline_mode<synchronous>, transform_indices = @transform_5, window_bounds = array<i64: 128, 1>}, {pipeline_mode = #tpu.pipeline_mode<synchronous>, transform_indices = @transform_6, window_bounds = array<i64: 512, 256>}, {pipeline_mode = #tpu.pipeline_mode<synchronous>, transform_indices = @transform_7, window_bounds = array<i64: 1, 256>}, {pipeline_mode = #tpu.pipeline_mode<synchronous>, transform_indices = @transform_8, window_bounds = array<i64: 256, 256>}, {pipeline_mode = #tpu.pipeline_mode<synchronous>, transform_indices = @transform_9, window_bounds = array<i64: 1, 256>}, {pipeline_mode = #tpu.pipeline_mode<synchronous>, transform_indices = @transform_10, window_bounds = array<i64: 1, 256>}, {pipeline_mode = #tpu.pipeline_mode<synchronous>, transform_indices = @transform_11, window_bounds = array<i64: 256, 128>}, {pipeline_mode = #tpu.pipeline_mode<synchronous>, transform_indices = @transform_12, window_bounds = array<i64: 1, 128>}, {pipeline_mode = #tpu.pipeline_mode<synchronous>, transform_indices = @transform_13, window_bounds = array<i64: 1, 1>}]} {
    %get3A = arith.constant 0 : index
    %get3A_0 = arith.constant 0 : index
    %get3A_1 = vector.load %arg3[%get3A, %get3A_0] : memref<64x256xf32, #tpu.memory_space<vmem>>, vector<64x256xf32>
    %eq3A = arith.constant 0 : i32
    %eq3A_2 = arith.cmpi eq, %arg0, %eq3A : i32
    %convert_element_type3A = arith.extui %eq3A_2 : i1 to i32
    %cond3A = arith.constant 0 : i32
    %cond3A_3 = arith.cmpi ne, %convert_element_type3A, %cond3A : i32
    scf.if %cond3A_3 {
      %convert_element_type3A_74 = arith.truncf %get3A_1 : vector<64x256xf32> to vector<64x256xbf16>
      %convert_element_type3A_75 = arith.extf %convert_element_type3A_74 : vector<64x256xbf16> to vector<64x256xf32>
      %mul3A_76 = arith.mulf %convert_element_type3A_75, %convert_element_type3A_75 : vector<64x256xf32>
      %reduce_sum3A_77 = arith.constant dense<0.000000e+00> : vector<64xf32>
      %reduce_sum3A_78 = vector.multi_reduction <add>, %mul3A_76, %reduce_sum3A_77 [1] : vector<64x256xf32> to vector<64xf32>
      %broadcast_in_dim3A_79 = vector.shape_cast %reduce_sum3A_78 : vector<64xf32> to vector<64x1xf32>
      %convert_element_type3A_80 = arith.truncf %broadcast_in_dim3A_79 : vector<64x1xf32> to vector<64x1xbf16>
      %convert_element_type3A_81 = arith.extf %convert_element_type3A_80 : vector<64x1xbf16> to vector<64x1xf32>
      %mul3A_82 = vector.broadcast %convert_element_type3A_81 : vector<64x1xf32> to vector<64x256xf32>
      %mul3A_83 = arith.mulf %mul3A_82, %convert_element_type3A_75 : vector<64x256xf32>
      %concatenate3A_84 = tpu.concatenate %mul3A_83, %mul3A_83 in 0 : vector<64x256xf32>, vector<64x256xf32> -> vector<128x256xf32>
      %swap3A_85 = arith.constant 0 : index
      %swap3A_86 = arith.constant 0 : index
      %swap3A_87 = vector.load %arg16[%swap3A_85, %swap3A_86] : memref<128x256xf32, #tpu.memory_space<vmem>>, vector<128x256xf32>
      tpu.vector_store %arg16[%swap3A_85, %swap3A_86], %concatenate3A_84 {strides = array<i32>} : memref<128x256xf32, #tpu.memory_space<vmem>>, vector<128x256xf32>,
      %broadcast_in_dim3A_88 = arith.constant 0.000000e+00 : f32
      %broadcast_in_dim3A_89 = vector.broadcast %broadcast_in_dim3A_88 : f32 to vector<128x1xf32>
      %swap3A_90 = arith.constant 0 : index
      %swap3A_91 = arith.constant 0 : index
      %swap3A_92 = vector.load %arg15[%swap3A_90, %swap3A_91] : memref<128x1xf32, #tpu.memory_space<vmem>>, vector<128x1xf32>
      tpu.vector_store %arg15[%swap3A_90, %swap3A_91], %broadcast_in_dim3A_89 {strides = array<i32>} : memref<128x1xf32, #tpu.memory_space<vmem>>, vector<128x1xf32>,
    } else {
    }
    %get3A_4 = arith.constant 0 : index
    %get3A_5 = arith.constant 0 : index
    %get3A_6 = vector.load %arg4[%get3A_4, %get3A_5] : memref<128x1xi32, #tpu.memory_space<vmem>>, vector<128x1xi32>
    %get3A_7 = arith.constant 0 : index
    %get3A_8 = arith.constant 0 : index
    %get3A_9 = vector.load %arg5[%get3A_7, %get3A_8] : memref<128x1xi32, #tpu.memory_space<vmem>>, vector<128x1xi32>
    %get3A_10 = arith.constant 0 : index
    %get3A_11 = arith.constant 0 : index
    %get3A_12 = vector.load %arg1[%get3A_10, %get3A_11] : memref<5000x256xf32, #tpu.memory_space<vmem>>, vector<5000x256xf32>
    %get3A_13 = arith.constant 0 : index
    %get3A_14 = arith.constant 0 : index
    %get3A_15 = arith.constant 0 : index
    %get3A_16 = vector.load %arg2[%get3A_13, %get3A_14, %get3A_15] : memref<1x1x5000xi32, #tpu.memory_space<vmem>>, vector<1x1x5000xi32>
    %get3A_17 = vector.shape_cast %get3A_16 : vector<1x1x5000xi32> to vector<1x5000xi32>
    %dot_general3A = arith.constant dense<0.000000e+00> : vector<64x5000xf32>
    %dot_general3A_18 = tpu.matmul %get3A_1, %get3A_12, %dot_general3A {dimension_numbers = #tpu.dot_dimension_numbers<[1], [1], [0], [0], [0, 0, 1, 0], [], []>, transpose_lhs_hint = false} : vector<64x256xf32>, vector<5000x256xf32>, vector<64x5000xf32> -> vector<64x5000xf32>
    %iota3A = tpu.iota {dimensions = array<i32: 1>} : vector<1x5000xi32>
    %eq3A_19 = vector.broadcast %get3A_6 : vector<128x1xi32> to vector<128x5000xi32>
    %eq3A_20 = vector.broadcast %get3A_17 : vector<1x5000xi32> to vector<128x5000xi32>
    %eq3A_21 = arith.cmpi eq, %eq3A_19, %eq3A_20 : vector<128x5000xi32>
    %mul3A = arith.constant 5000 : i32
    %mul3A_22 = arith.muli %arg0, %mul3A : i32
    %sub3A = vector.broadcast %mul3A_22 : i32 to vector<128x1xi32>
    %sub3A_23 = arith.subi %get3A_9, %sub3A : vector<128x1xi32>
    %ne3A = vector.broadcast %sub3A_23 : vector<128x1xi32> to vector<128x5000xi32>
    %ne3A_24 = vector.broadcast %iota3A : vector<1x5000xi32> to vector<128x5000xi32>
    %ne3A_25 = arith.cmpi ne, %ne3A, %ne3A_24 : vector<128x5000xi32>
    %and3A = arith.andi %eq3A_21, %ne3A_25 : vector<128x5000xi1>
    %convert_element_type3A_26 = arith.extui %and3A : vector<128x5000xi1> to vector<128x5000xi32>
    %convert_element_type3A_27 = arith.sitofp %convert_element_type3A_26 : vector<128x5000xi32> to vector<128x5000xf32>
    %reduce_sum3A = arith.constant dense<0.000000e+00> : vector<128xf32>
    %reduce_sum3A_28 = vector.multi_reduction <add>, %convert_element_type3A_27, %reduce_sum3A [1] : vector<128x5000xf32> to vector<128xf32>
    %broadcast_in_dim3A = vector.shape_cast %reduce_sum3A_28 : vector<128xf32> to vector<128x1xf32>
    %get3A_29 = arith.constant 0 : index
    %get3A_30 = arith.constant 0 : index
    %get3A_31 = vector.load %arg15[%get3A_29, %get3A_30] : memref<128x1xf32, #tpu.memory_space<vmem>>, vector<128x1xf32>
    %add3A = arith.addf %get3A_31, %broadcast_in_dim3A : vector<128x1xf32>
    %le3A = arith.constant 1.000000e+02 : f32
    %le3A_32 = vector.broadcast %le3A : f32 to vector<128x1xf32>
    %le3A_33 = arith.cmpf ole, %add3A, %le3A_32 : vector<128x1xf32>
    %concatenate3A = tpu.concatenate %dot_general3A_18, %dot_general3A_18 in 0 : vector<64x5000xf32>, vector<64x5000xf32> -> vector<128x5000xf32>
    %and3A_34 = vector.broadcast %le3A_33 : vector<128x1xi1> to vector<128x5000xi1>
    %and3A_35 = arith.andi %and3A, %and3A_34 : vector<128x5000xi1>
    %jit3A = arith.constant 0.000000e+00 : f32
    %broadcast_in_dim3A_36 = vector.broadcast %jit3A : f32 to vector<128x5000xf32>
    %select_n3A = arith.select %and3A_35, %concatenate3A, %broadcast_in_dim3A_36 : vector<128x5000xi1>, vector<128x5000xf32>
    %get3A_37 = arith.constant 0 : index
    %get3A_38 = arith.constant 0 : index
    %get3A_39 = vector.load %arg16[%get3A_37, %get3A_38] : memref<128x256xf32, #tpu.memory_space<vmem>>, vector<128x256xf32>
    %dot_general3A_40 = arith.constant dense<0.000000e+00> : vector<128x256xf32>
    %dot_general3A_41 = tpu.matmul %select_n3A, %get3A_12, %dot_general3A_40 {dimension_numbers = #tpu.dot_dimension_numbers<[1], [0], [0], [1], [0, 0, 1, 1], [], []>, transpose_lhs_hint = false} : vector<128x5000xf32>, vector<5000x256xf32>, vector<128x256xf32> -> vector<128x256xf32>
    %add3A_42 = arith.addf %get3A_39, %dot_general3A_41 : vector<128x256xf32>
    %swap3A = arith.constant 0 : index
    %swap3A_43 = arith.constant 0 : index
    %swap3A_44 = vector.load %arg16[%swap3A, %swap3A_43] : memref<128x256xf32, #tpu.memory_space<vmem>>, vector<128x256xf32>
    tpu.vector_store %arg16[%swap3A, %swap3A_43], %add3A_42 {strides = array<i32>} : memref<128x256xf32, #tpu.memory_space<vmem>>, vector<128x256xf32>,
    %lt3A = arith.constant 1.000000e+02 : f32
    %lt3A_45 = vector.broadcast %lt3A : f32 to vector<128x1xf32>
    %lt3A_46 = arith.cmpf olt, %get3A_31, %lt3A_45 : vector<128x1xf32>
    %add3A_47 = arith.addf %get3A_31, %broadcast_in_dim3A : vector<128x1xf32>
    %gt3A = arith.constant 1.000000e+02 : f32
    %gt3A_48 = vector.broadcast %gt3A : f32 to vector<128x1xf32>
    %gt3A_49 = arith.cmpf ogt, %add3A_47, %gt3A_48 : vector<128x1xf32>
    %and3A_50 = arith.andi %lt3A_46, %gt3A_49 : vector<128x1xi1>
    %reduce_or3A = arith.constant 1.000000e+00 : f32
    %reduce_or3A_51 = arith.constant 0.000000e+00 : f32
    %reduce_or3A_52 = vector.broadcast %reduce_or3A : f32 to vector<128x1xf32>
    %reduce_or3A_53 = vector.broadcast %reduce_or3A_51 : f32 to vector<128x1xf32>
    %reduce_or3A_54 = arith.select %and3A_50, %reduce_or3A_52, %reduce_or3A_53 : vector<128x1xi1>, vector<128x1xf32>
    %reduce_or3A_55 = vector.shape_cast %reduce_or3A_54 : vector<128x1xf32> to vector<1x128x1xf32>
    %reduce_or3A_56 = arith.constant dense<0xFF800000> : vector<1xf32>
    %reduce_or3A_57 = vector.multi_reduction <maximumf>, %reduce_or3A_55, %reduce_or3A_56 [1, 2] : vector<1x128x1xf32> to vector<1xf32>
    %reduce_or3A_58 = vector.shape_cast %reduce_or3A_57 : vector<1xf32> to vector<1x1x1xf32>
    %reduce_or3A_59 = vector.extract %reduce_or3A_58[0, 0, 0] : f32 from vector<1x1x1xf32>
    %reduce_or3A_60 = arith.constant 0.000000e+00 : f32
    %reduce_or3A_61 = arith.cmpf ogt, %reduce_or3A_59, %reduce_or3A_60 : f32
    %convert_element_type3A_62 = arith.extui %reduce_or3A_61 : i1 to i32
    %cond3A_63 = arith.constant 0 : i32
    %cond3A_64 = arith.cmpi ne, %convert_element_type3A_62, %cond3A_63 : i32
    scf.if %cond3A_64 {
      %iota3A_74 = tpu.iota {dimensions = array<i32: 0>} : vector<1000x1000xi32>
      %iota3A_75 = tpu.iota {dimensions = array<i32: 1>} : vector<1000x1000xi32>
      %lt3A_76 = arith.cmpi slt, %iota3A_74, %iota3A_75 : vector<1000x1000xi32>
      %convert_element_type3A_77 = arith.extui %lt3A_76 : vector<1000x1000xi1> to vector<1000x1000xi32>
      %convert_element_type3A_78 = arith.sitofp %convert_element_type3A_77 : vector<1000x1000xi32> to vector<1000x1000xf32>
      %slice3A = vector.extract_strided_slice %convert_element_type3A_27 {offsets = [0, 0], sizes = [128, 1000], strides = [1, 1]} : vector<128x5000xf32> to vector<128x1000xf32>
      %dot_general3A_79 = arith.constant dense<0.000000e+00> : vector<128x1000xf32>
      %dot_general3A_80 = tpu.matmul %slice3A, %convert_element_type3A_78, %dot_general3A_79 {dimension_numbers = #tpu.dot_dimension_numbers<[1], [0], [0], [1], [0, 0, 1, 1], [], []>, transpose_lhs_hint = false} : vector<128x1000xf32>, vector<1000x1000xf32>, vector<128x1000xf32> -> vector<128x1000xf32>
      %add3A_81 = vector.broadcast %get3A_31 : vector<128x1xf32> to vector<128x1000xf32>
      %add3A_82 = arith.addf %add3A_81, %dot_general3A_80 : vector<128x1000xf32>
      %slice3A_83 = vector.extract_strided_slice %and3A {offsets = [0, 0], sizes = [128, 1000], strides = [1, 1]} : vector<128x5000xi1> to vector<128x1000xi1>
      %and3A_84 = vector.broadcast %and3A_50 : vector<128x1xi1> to vector<128x1000xi1>
      %and3A_85 = arith.andi %slice3A_83, %and3A_84 : vector<128x1000xi1>
      %lt3A_86 = arith.constant 1.000000e+02 : f32
      %lt3A_87 = vector.broadcast %lt3A_86 : f32 to vector<128x1000xf32>
      %lt3A_88 = arith.cmpf olt, %add3A_82, %lt3A_87 : vector<128x1000xf32>
      %and3A_89 = arith.andi %and3A_85, %lt3A_88 : vector<128x1000xi1>
      %slice3A_90 = vector.extract_strided_slice %dot_general3A_18 {offsets = [0, 0], sizes = [64, 1000], strides = [1, 1]} : vector<64x5000xf32> to vector<64x1000xf32>
      %slice3A_91 = vector.extract_strided_slice %dot_general3A_18 {offsets = [0, 0], sizes = [64, 1000], strides = [1, 1]} : vector<64x5000xf32> to vector<64x1000xf32>
      %concatenate3A_92 = tpu.concatenate %slice3A_90, %slice3A_91 in 0 : vector<64x1000xf32>, vector<64x1000xf32> -> vector<128x1000xf32>
      %jit3A_93 = arith.constant 0.000000e+00 : f32
      %broadcast_in_dim3A_94 = vector.broadcast %jit3A_93 : f32 to vector<128x1000xf32>
      %select_n3A_95 = arith.select %and3A_89, %concatenate3A_92, %broadcast_in_dim3A_94 : vector<128x1000xi1>, vector<128x1000xf32>
      %get3A_96 = arith.constant 0 : index
      %get3A_97 = arith.constant 0 : index
      %get3A_98 = vector.load %arg16[%get3A_96, %get3A_97] : memref<128x256xf32, #tpu.memory_space<vmem>>, vector<128x256xf32>
      %slice3A_99 = vector.extract_strided_slice %get3A_12 {offsets = [0, 0], sizes = [1000, 256], strides = [1, 1]} : vector<5000x256xf32> to vector<1000x256xf32>
      %dot_general3A_100 = arith.constant dense<0.000000e+00> : vector<128x256xf32>
      %dot_general3A_101 = tpu.matmul %select_n3A_95, %slice3A_99, %dot_general3A_100 {dimension_numbers = #tpu.dot_dimension_numbers<[1], [0], [0], [1], [0, 0, 1, 1], [], []>, transpose_lhs_hint = false} : vector<128x1000xf32>, vector<1000x256xf32>, vector<128x256xf32> -> vector<128x256xf32>
      %add3A_102 = arith.addf %get3A_98, %dot_general3A_101 : vector<128x256xf32>
      %swap3A_103 = arith.constant 0 : index
      %swap3A_104 = arith.constant 0 : index
      %swap3A_105 = vector.load %arg16[%swap3A_103, %swap3A_104] : memref<128x256xf32, #tpu.memory_space<vmem>>, vector<128x256xf32>
      tpu.vector_store %arg16[%swap3A_103, %swap3A_104], %add3A_102 {strides = array<i32>} : memref<128x256xf32, #tpu.memory_space<vmem>>, vector<128x256xf32>,
      %reduce_sum3A_106 = arith.constant dense<0.000000e+00> : vector<128xf32>
      %reduce_sum3A_107 = vector.multi_reduction <add>, %slice3A, %reduce_sum3A_106 [1] : vector<128x1000xf32> to vector<128xf32>
      %broadcast_in_dim3A_108 = vector.shape_cast %reduce_sum3A_107 : vector<128xf32> to vector<128x1xf32>
      %add3A_109 = arith.addf %get3A_31, %broadcast_in_dim3A_108 : vector<128x1xf32>
      %slice3A_110 = vector.extract_strided_slice %convert_element_type3A_27 {offsets = [0, 1000], sizes = [128, 1000], strides = [1, 1]} : vector<128x5000xf32> to vector<128x1000xf32>
      %dot_general3A_111 = arith.constant dense<0.000000e+00> : vector<128x1000xf32>
      %dot_general3A_112 = tpu.matmul %slice3A_110, %convert_element_type3A_78, %dot_general3A_111 {dimension_numbers = #tpu.dot_dimension_numbers<[1], [0], [0], [1], [0, 0, 1, 1], [], []>, transpose_lhs_hint = false} : vector<128x1000xf32>, vector<1000x1000xf32>, vector<128x1000xf32> -> vector<128x1000xf32>
      %add3A_113 = vector.broadcast %add3A_109 : vector<128x1xf32> to vector<128x1000xf32>
      %add3A_114 = arith.addf %add3A_113, %dot_general3A_112 : vector<128x1000xf32>
      %slice3A_115 = vector.extract_strided_slice %and3A {offsets = [0, 1000], sizes = [128, 1000], strides = [1, 1]} : vector<128x5000xi1> to vector<128x1000xi1>
      %and3A_116 = vector.broadcast %and3A_50 : vector<128x1xi1> to vector<128x1000xi1>
      %and3A_117 = arith.andi %slice3A_115, %and3A_116 : vector<128x1000xi1>
      %lt3A_118 = arith.constant 1.000000e+02 : f32
      %lt3A_119 = vector.broadcast %lt3A_118 : f32 to vector<128x1000xf32>
      %lt3A_120 = arith.cmpf olt, %add3A_114, %lt3A_119 : vector<128x1000xf32>
      %and3A_121 = arith.andi %and3A_117, %lt3A_120 : vector<128x1000xi1>
      %slice3A_122 = vector.extract_strided_slice %dot_general3A_18 {offsets = [0, 1000], sizes = [64, 1000], strides = [1, 1]} : vector<64x5000xf32> to vector<64x1000xf32>
      %slice3A_123 = vector.extract_strided_slice %dot_general3A_18 {offsets = [0, 1000], sizes = [64, 1000], strides = [1, 1]} : vector<64x5000xf32> to vector<64x1000xf32>
      %concatenate3A_124 = tpu.concatenate %slice3A_122, %slice3A_123 in 0 : vector<64x1000xf32>, vector<64x1000xf32> -> vector<128x1000xf32>
      %jit3A_125 = arith.constant 0.000000e+00 : f32
      %broadcast_in_dim3A_126 = vector.broadcast %jit3A_125 : f32 to vector<128x1000xf32>
      %select_n3A_127 = arith.select %and3A_121, %concatenate3A_124, %broadcast_in_dim3A_126 : vector<128x1000xi1>, vector<128x1000xf32>
      %get3A_128 = arith.constant 0 : index
      %get3A_129 = arith.constant 0 : index
      %get3A_130 = vector.load %arg16[%get3A_128, %get3A_129] : memref<128x256xf32, #tpu.memory_space<vmem>>, vector<128x256xf32>
      %slice3A_131 = vector.extract_strided_slice %get3A_12 {offsets = [1000, 0], sizes = [1000, 256], strides = [1, 1]} : vector<5000x256xf32> to vector<1000x256xf32>
      %dot_general3A_132 = arith.constant dense<0.000000e+00> : vector<128x256xf32>
      %dot_general3A_133 = tpu.matmul %select_n3A_127, %slice3A_131, %dot_general3A_132 {dimension_numbers = #tpu.dot_dimension_numbers<[1], [0], [0], [1], [0, 0, 1, 1], [], []>, transpose_lhs_hint = false} : vector<128x1000xf32>, vector<1000x256xf32>, vector<128x256xf32> -> vector<128x256xf32>
      %add3A_134 = arith.addf %get3A_130, %dot_general3A_133 : vector<128x256xf32>
      %swap3A_135 = arith.constant 0 : index
      %swap3A_136 = arith.constant 0 : index
      %swap3A_137 = vector.load %arg16[%swap3A_135, %swap3A_136] : memref<128x256xf32, #tpu.memory_space<vmem>>, vector<128x256xf32>
      tpu.vector_store %arg16[%swap3A_135, %swap3A_136], %add3A_134 {strides = array<i32>} : memref<128x256xf32, #tpu.memory_space<vmem>>, vector<128x256xf32>,
      %reduce_sum3A_138 = arith.constant dense<0.000000e+00> : vector<128xf32>
      %reduce_sum3A_139 = vector.multi_reduction <add>, %slice3A_110, %reduce_sum3A_138 [1] : vector<128x1000xf32> to vector<128xf32>
      %broadcast_in_dim3A_140 = vector.shape_cast %reduce_sum3A_139 : vector<128xf32> to vector<128x1xf32>
      %add3A_141 = arith.addf %add3A_109, %broadcast_in_dim3A_140 : vector<128x1xf32>
      %slice3A_142 = vector.extract_strided_slice %convert_element_type3A_27 {offsets = [0, 2000], sizes = [128, 1000], strides = [1, 1]} : vector<128x5000xf32> to vector<128x1000xf32>
      %dot_general3A_143 = arith.constant dense<0.000000e+00> : vector<128x1000xf32>
      %dot_general3A_144 = tpu.matmul %slice3A_142, %convert_element_type3A_78, %dot_general3A_143 {dimension_numbers = #tpu.dot_dimension_numbers<[1], [0], [0], [1], [0, 0, 1, 1], [], []>, transpose_lhs_hint = false} : vector<128x1000xf32>, vector<1000x1000xf32>, vector<128x1000xf32> -> vector<128x1000xf32>
      %add3A_145 = vector.broadcast %add3A_141 : vector<128x1xf32> to vector<128x1000xf32>
      %add3A_146 = arith.addf %add3A_145, %dot_general3A_144 : vector<128x1000xf32>
      %slice3A_147 = vector.extract_strided_slice %and3A {offsets = [0, 2000], sizes = [128, 1000], strides = [1, 1]} : vector<128x5000xi1> to vector<128x1000xi1>
      %and3A_148 = vector.broadcast %and3A_50 : vector<128x1xi1> to vector<128x1000xi1>
      %and3A_149 = arith.andi %slice3A_147, %and3A_148 : vector<128x1000xi1>
      %lt3A_150 = arith.constant 1.000000e+02 : f32
      %lt3A_151 = vector.broadcast %lt3A_150 : f32 to vector<128x1000xf32>
      %lt3A_152 = arith.cmpf olt, %add3A_146, %lt3A_151 : vector<128x1000xf32>
      %and3A_153 = arith.andi %and3A_149, %lt3A_152 : vector<128x1000xi1>
      %slice3A_154 = vector.extract_strided_slice %dot_general3A_18 {offsets = [0, 2000], sizes = [64, 1000], strides = [1, 1]} : vector<64x5000xf32> to vector<64x1000xf32>
      %slice3A_155 = vector.extract_strided_slice %dot_general3A_18 {offsets = [0, 2000], sizes = [64, 1000], strides = [1, 1]} : vector<64x5000xf32> to vector<64x1000xf32>
      %concatenate3A_156 = tpu.concatenate %slice3A_154, %slice3A_155 in 0 : vector<64x1000xf32>, vector<64x1000xf32> -> vector<128x1000xf32>
      %jit3A_157 = arith.constant 0.000000e+00 : f32
      %broadcast_in_dim3A_158 = vector.broadcast %jit3A_157 : f32 to vector<128x1000xf32>
      %select_n3A_159 = arith.select %and3A_153, %concatenate3A_156, %broadcast_in_dim3A_158 : vector<128x1000xi1>, vector<128x1000xf32>
      %get3A_160 = arith.constant 0 : index
      %get3A_161 = arith.constant 0 : index
      %get3A_162 = vector.load %arg16[%get3A_160, %get3A_161] : memref<128x256xf32, #tpu.memory_space<vmem>>, vector<128x256xf32>
      %slice3A_163 = vector.extract_strided_slice %get3A_12 {offsets = [2000, 0], sizes = [1000, 256], strides = [1, 1]} : vector<5000x256xf32> to vector<1000x256xf32>
      %dot_general3A_164 = arith.constant dense<0.000000e+00> : vector<128x256xf32>
      %dot_general3A_165 = tpu.matmul %select_n3A_159, %slice3A_163, %dot_general3A_164 {dimension_numbers = #tpu.dot_dimension_numbers<[1], [0], [0], [1], [0, 0, 1, 1], [], []>, transpose_lhs_hint = false} : vector<128x1000xf32>, vector<1000x256xf32>, vector<128x256xf32> -> vector<128x256xf32>
      %add3A_166 = arith.addf %get3A_162, %dot_general3A_165 : vector<128x256xf32>
      %swap3A_167 = arith.constant 0 : index
      %swap3A_168 = arith.constant 0 : index
      %swap3A_169 = vector.load %arg16[%swap3A_167, %swap3A_168] : memref<128x256xf32, #tpu.memory_space<vmem>>, vector<128x256xf32>
      tpu.vector_store %arg16[%swap3A_167, %swap3A_168], %add3A_166 {strides = array<i32>} : memref<128x256xf32, #tpu.memory_space<vmem>>, vector<128x256xf32>,
      %reduce_sum3A_170 = arith.constant dense<0.000000e+00> : vector<128xf32>
      %reduce_sum3A_171 = vector.multi_reduction <add>, %slice3A_142, %reduce_sum3A_170 [1] : vector<128x1000xf32> to vector<128xf32>
      %broadcast_in_dim3A_172 = vector.shape_cast %reduce_sum3A_171 : vector<128xf32> to vector<128x1xf32>
      %add3A_173 = arith.addf %add3A_141, %broadcast_in_dim3A_172 : vector<128x1xf32>
      %slice3A_174 = vector.extract_strided_slice %convert_element_type3A_27 {offsets = [0, 3000], sizes = [128, 1000], strides = [1, 1]} : vector<128x5000xf32> to vector<128x1000xf32>
      %dot_general3A_175 = arith.constant dense<0.000000e+00> : vector<128x1000xf32>
      %dot_general3A_176 = tpu.matmul %slice3A_174, %convert_element_type3A_78, %dot_general3A_175 {dimension_numbers = #tpu.dot_dimension_numbers<[1], [0], [0], [1], [0, 0, 1, 1], [], []>, transpose_lhs_hint = false} : vector<128x1000xf32>, vector<1000x1000xf32>, vector<128x1000xf32> -> vector<128x1000xf32>
      %add3A_177 = vector.broadcast %add3A_173 : vector<128x1xf32> to vector<128x1000xf32>
      %add3A_178 = arith.addf %add3A_177, %dot_general3A_176 : vector<128x1000xf32>
      %slice3A_179 = vector.extract_strided_slice %and3A {offsets = [0, 3000], sizes = [128, 1000], strides = [1, 1]} : vector<128x5000xi1> to vector<128x1000xi1>
      %and3A_180 = vector.broadcast %and3A_50 : vector<128x1xi1> to vector<128x1000xi1>
      %and3A_181 = arith.andi %slice3A_179, %and3A_180 : vector<128x1000xi1>
      %lt3A_182 = arith.constant 1.000000e+02 : f32
      %lt3A_183 = vector.broadcast %lt3A_182 : f32 to vector<128x1000xf32>
      %lt3A_184 = arith.cmpf olt, %add3A_178, %lt3A_183 : vector<128x1000xf32>
      %and3A_185 = arith.andi %and3A_181, %lt3A_184 : vector<128x1000xi1>
      %slice3A_186 = vector.extract_strided_slice %dot_general3A_18 {offsets = [0, 3000], sizes = [64, 1000], strides = [1, 1]} : vector<64x5000xf32> to vector<64x1000xf32>
      %slice3A_187 = vector.extract_strided_slice %dot_general3A_18 {offsets = [0, 3000], sizes = [64, 1000], strides = [1, 1]} : vector<64x5000xf32> to vector<64x1000xf32>
      %concatenate3A_188 = tpu.concatenate %slice3A_186, %slice3A_187 in 0 : vector<64x1000xf32>, vector<64x1000xf32> -> vector<128x1000xf32>
      %jit3A_189 = arith.constant 0.000000e+00 : f32
      %broadcast_in_dim3A_190 = vector.broadcast %jit3A_189 : f32 to vector<128x1000xf32>
      %select_n3A_191 = arith.select %and3A_185, %concatenate3A_188, %broadcast_in_dim3A_190 : vector<128x1000xi1>, vector<128x1000xf32>
      %get3A_192 = arith.constant 0 : index
      %get3A_193 = arith.constant 0 : index
      %get3A_194 = vector.load %arg16[%get3A_192, %get3A_193] : memref<128x256xf32, #tpu.memory_space<vmem>>, vector<128x256xf32>
      %slice3A_195 = vector.extract_strided_slice %get3A_12 {offsets = [3000, 0], sizes = [1000, 256], strides = [1, 1]} : vector<5000x256xf32> to vector<1000x256xf32>
      %dot_general3A_196 = arith.constant dense<0.000000e+00> : vector<128x256xf32>
      %dot_general3A_197 = tpu.matmul %select_n3A_191, %slice3A_195, %dot_general3A_196 {dimension_numbers = #tpu.dot_dimension_numbers<[1], [0], [0], [1], [0, 0, 1, 1], [], []>, transpose_lhs_hint = false} : vector<128x1000xf32>, vector<1000x256xf32>, vector<128x256xf32> -> vector<128x256xf32>
      %add3A_198 = arith.addf %get3A_194, %dot_general3A_197 : vector<128x256xf32>
      %swap3A_199 = arith.constant 0 : index
      %swap3A_200 = arith.constant 0 : index
      %swap3A_201 = vector.load %arg16[%swap3A_199, %swap3A_200] : memref<128x256xf32, #tpu.memory_space<vmem>>, vector<128x256xf32>
      tpu.vector_store %arg16[%swap3A_199, %swap3A_200], %add3A_198 {strides = array<i32>} : memref<128x256xf32, #tpu.memory_space<vmem>>, vector<128x256xf32>,
      %reduce_sum3A_202 = arith.constant dense<0.000000e+00> : vector<128xf32>
      %reduce_sum3A_203 = vector.multi_reduction <add>, %slice3A_174, %reduce_sum3A_202 [1] : vector<128x1000xf32> to vector<128xf32>
      %broadcast_in_dim3A_204 = vector.shape_cast %reduce_sum3A_203 : vector<128xf32> to vector<128x1xf32>
      %add3A_205 = arith.addf %add3A_173, %broadcast_in_dim3A_204 : vector<128x1xf32>
      %slice3A_206 = vector.extract_strided_slice %convert_element_type3A_27 {offsets = [0, 4000], sizes = [128, 1000], strides = [1, 1]} : vector<128x5000xf32> to vector<128x1000xf32>
      %dot_general3A_207 = arith.constant dense<0.000000e+00> : vector<128x1000xf32>
      %dot_general3A_208 = tpu.matmul %slice3A_206, %convert_element_type3A_78, %dot_general3A_207 {dimension_numbers = #tpu.dot_dimension_numbers<[1], [0], [0], [1], [0, 0, 1, 1], [], []>, transpose_lhs_hint = false} : vector<128x1000xf32>, vector<1000x1000xf32>, vector<128x1000xf32> -> vector<128x1000xf32>
      %add3A_209 = vector.broadcast %add3A_205 : vector<128x1xf32> to vector<128x1000xf32>
      %add3A_210 = arith.addf %add3A_209, %dot_general3A_208 : vector<128x1000xf32>
      %slice3A_211 = vector.extract_strided_slice %and3A {offsets = [0, 4000], sizes = [128, 1000], strides = [1, 1]} : vector<128x5000xi1> to vector<128x1000xi1>
      %and3A_212 = vector.broadcast %and3A_50 : vector<128x1xi1> to vector<128x1000xi1>
      %and3A_213 = arith.andi %slice3A_211, %and3A_212 : vector<128x1000xi1>
      %lt3A_214 = arith.constant 1.000000e+02 : f32
      %lt3A_215 = vector.broadcast %lt3A_214 : f32 to vector<128x1000xf32>
      %lt3A_216 = arith.cmpf olt, %add3A_210, %lt3A_215 : vector<128x1000xf32>
      %and3A_217 = arith.andi %and3A_213, %lt3A_216 : vector<128x1000xi1>
      %slice3A_218 = vector.extract_strided_slice %dot_general3A_18 {offsets = [0, 4000], sizes = [64, 1000], strides = [1, 1]} : vector<64x5000xf32> to vector<64x1000xf32>
      %slice3A_219 = vector.extract_strided_slice %dot_general3A_18 {offsets = [0, 4000], sizes = [64, 1000], strides = [1, 1]} : vector<64x5000xf32> to vector<64x1000xf32>
      %concatenate3A_220 = tpu.concatenate %slice3A_218, %slice3A_219 in 0 : vector<64x1000xf32>, vector<64x1000xf32> -> vector<128x1000xf32>
      %jit3A_221 = arith.constant 0.000000e+00 : f32
      %broadcast_in_dim3A_222 = vector.broadcast %jit3A_221 : f32 to vector<128x1000xf32>
      %select_n3A_223 = arith.select %and3A_217, %concatenate3A_220, %broadcast_in_dim3A_222 : vector<128x1000xi1>, vector<128x1000xf32>
      %get3A_224 = arith.constant 0 : index
      %get3A_225 = arith.constant 0 : index
      %get3A_226 = vector.load %arg16[%get3A_224, %get3A_225] : memref<128x256xf32, #tpu.memory_space<vmem>>, vector<128x256xf32>
      %slice3A_227 = vector.extract_strided_slice %get3A_12 {offsets = [4000, 0], sizes = [1000, 256], strides = [1, 1]} : vector<5000x256xf32> to vector<1000x256xf32>
      %dot_general3A_228 = arith.constant dense<0.000000e+00> : vector<128x256xf32>
      %dot_general3A_229 = tpu.matmul %select_n3A_223, %slice3A_227, %dot_general3A_228 {dimension_numbers = #tpu.dot_dimension_numbers<[1], [0], [0], [1], [0, 0, 1, 1], [], []>, transpose_lhs_hint = false} : vector<128x1000xf32>, vector<1000x256xf32>, vector<128x256xf32> -> vector<128x256xf32>
      %add3A_230 = arith.addf %get3A_226, %dot_general3A_229 : vector<128x256xf32>
      %swap3A_231 = arith.constant 0 : index
      %swap3A_232 = arith.constant 0 : index
      %swap3A_233 = vector.load %arg16[%swap3A_231, %swap3A_232] : memref<128x256xf32, #tpu.memory_space<vmem>>, vector<128x256xf32>
      tpu.vector_store %arg16[%swap3A_231, %swap3A_232], %add3A_230 {strides = array<i32>} : memref<128x256xf32, #tpu.memory_space<vmem>>, vector<128x256xf32>,
    } else {
    }
    %add3A_65 = arith.addf %get3A_31, %broadcast_in_dim3A : vector<128x1xf32>
    %swap3A_66 = arith.constant 0 : index
    %swap3A_67 = arith.constant 0 : index
    %swap3A_68 = vector.load %arg15[%swap3A_66, %swap3A_67] : memref<128x1xf32, #tpu.memory_space<vmem>>, vector<128x1xf32>
    tpu.vector_store %arg15[%swap3A_66, %swap3A_67], %add3A_65 {strides = array<i32>} : memref<128x1xf32, #tpu.memory_space<vmem>>, vector<128x1xf32>,
    %eq3A_69 = arith.constant 9 : i32
    %eq3A_70 = arith.cmpi eq, %arg0, %eq3A_69 : i32
    %convert_element_type3A_71 = arith.extui %eq3A_70 : i1 to i32
    %cond3A_72 = arith.constant 0 : i32
    %cond3A_73 = arith.cmpi ne, %convert_element_type3A_71, %cond3A_72 : i32
    scf.if %cond3A_73 {
      %concatenate3A_74 = tpu.concatenate %get3A_1, %get3A_1 in 0 : vector<64x256xf32>, vector<64x256xf32> -> vector<128x256xf32>
      %get3A_75 = arith.constant 0 : index
      %get3A_76 = arith.constant 0 : index
      %get3A_77 = vector.load %arg16[%get3A_75, %get3A_76] : memref<128x256xf32, #tpu.memory_space<vmem>>, vector<128x256xf32>
      %concatenate3A_78 = tpu.concatenate %concatenate3A_74, %get3A_77 in 1 : vector<128x256xf32>, vector<128x256xf32> -> vector<128x512xf32>
      %get3A_79 = arith.constant 0 : index
      %get3A_80 = arith.constant 0 : index
      %get3A_81 = vector.load %arg7[%get3A_79, %get3A_80] : memref<512x256xf32, #tpu.memory_space<vmem>>, vector<512x256xf32>
      %dot_general3A_82 = arith.constant dense<0.000000e+00> : vector<128x256xf32>
      %dot_general3A_83 = tpu.matmul %concatenate3A_78, %get3A_81, %dot_general3A_82 {dimension_numbers = #tpu.dot_dimension_numbers<[1], [0], [0], [1], [0, 0, 1, 1], [], []>, transpose_lhs_hint = false} : vector<128x512xf32>, vector<512x256xf32>, vector<128x256xf32> -> vector<128x256xf32>
      %get3A_84 = arith.constant 0 : index
      %get3A_85 = arith.constant 0 : index
      %get3A_86 = vector.load %arg8[%get3A_84, %get3A_85] : memref<1x256xf32, #tpu.memory_space<vmem>>, vector<1x256xf32>
      %get3A_87 = vector.shape_cast %get3A_86 : vector<1x256xf32> to vector<256xf32>
      %broadcast_in_dim3A_88 = vector.shape_cast %get3A_87 : vector<256xf32> to vector<1x256xf32>
      %add3A_89 = vector.broadcast %broadcast_in_dim3A_88 : vector<1x256xf32> to vector<128x256xf32>
      %add3A_90 = arith.addf %dot_general3A_83, %add3A_89 : vector<128x256xf32>
      %max3A = arith.constant 0.000000e+00 : f32
      %max3A_91 = vector.broadcast %max3A : f32 to vector<128x256xf32>
      %max3A_92 = arith.maximumf %add3A_90, %max3A_91 : vector<128x256xf32>
      %get3A_93 = arith.constant 0 : index
      %get3A_94 = arith.constant 0 : index
      %get3A_95 = vector.load %arg9[%get3A_93, %get3A_94] : memref<256x256xf32, #tpu.memory_space<vmem>>, vector<256x256xf32>
      %dot_general3A_96 = arith.constant dense<0.000000e+00> : vector<128x256xf32>
      %dot_general3A_97 = tpu.matmul %max3A_92, %get3A_95, %dot_general3A_96 {dimension_numbers = #tpu.dot_dimension_numbers<[1], [0], [0], [1], [0, 0, 1, 1], [], []>, transpose_lhs_hint = false} : vector<128x256xf32>, vector<256x256xf32>, vector<128x256xf32> -> vector<128x256xf32>
      %get3A_98 = arith.constant 0 : index
      %get3A_99 = arith.constant 0 : index
      %get3A_100 = vector.load %arg10[%get3A_98, %get3A_99] : memref<1x256xf32, #tpu.memory_space<vmem>>, vector<1x256xf32>
      %get3A_101 = vector.shape_cast %get3A_100 : vector<1x256xf32> to vector<256xf32>
      %broadcast_in_dim3A_102 = vector.shape_cast %get3A_101 : vector<256xf32> to vector<1x256xf32>
      %add3A_103 = vector.broadcast %broadcast_in_dim3A_102 : vector<1x256xf32> to vector<128x256xf32>
      %add3A_104 = arith.addf %dot_general3A_97, %add3A_103 : vector<128x256xf32>
      %get3A_105 = arith.constant 0 : index
      %get3A_106 = arith.constant 0 : index
      %get3A_107 = vector.load %arg11[%get3A_105, %get3A_106] : memref<1x256xf32, #tpu.memory_space<vmem>>, vector<1x256xf32>
      %get3A_108 = vector.shape_cast %get3A_107 : vector<1x256xf32> to vector<256xf32>
      %broadcast_in_dim3A_109 = vector.shape_cast %get3A_108 : vector<256xf32> to vector<1x256xf32>
      %max3A_110 = arith.constant 0.000000e+00 : f32
      %max3A_111 = vector.broadcast %max3A_110 : f32 to vector<128x256xf32>
      %max3A_112 = arith.maximumf %add3A_104, %max3A_111 : vector<128x256xf32>
      %min3A = arith.constant 0.000000e+00 : f32
      %min3A_113 = vector.broadcast %min3A : f32 to vector<128x256xf32>
      %min3A_114 = arith.minimumf %add3A_104, %min3A_113 : vector<128x256xf32>
      %mul3A_115 = vector.broadcast %broadcast_in_dim3A_109 : vector<1x256xf32> to vector<128x256xf32>
      %mul3A_116 = arith.mulf %mul3A_115, %min3A_114 : vector<128x256xf32>
      %add3A_117 = arith.addf %max3A_112, %mul3A_116 : vector<128x256xf32>
      %get3A_118 = arith.constant 0 : index
      %get3A_119 = arith.constant 0 : index
      %get3A_120 = vector.load %arg12[%get3A_118, %get3A_119] : memref<256x128xf32, #tpu.memory_space<vmem>>, vector<256x128xf32>
      %dot_general3A_121 = arith.constant dense<0.000000e+00> : vector<128x128xf32>
      %dot_general3A_122 = tpu.matmul %add3A_117, %get3A_120, %dot_general3A_121 {dimension_numbers = #tpu.dot_dimension_numbers<[1], [0], [0], [1], [0, 0, 1, 1], [], []>, transpose_lhs_hint = false} : vector<128x256xf32>, vector<256x128xf32>, vector<128x128xf32> -> vector<128x128xf32>
      %get3A_123 = arith.constant 0 : index
      %get3A_124 = arith.constant 0 : index
      %get3A_125 = vector.load %arg13[%get3A_123, %get3A_124] : memref<1x128xf32, #tpu.memory_space<vmem>>, vector<1x128xf32>
      %get3A_126 = vector.shape_cast %get3A_125 : vector<1x128xf32> to vector<128xf32>
      %broadcast_in_dim3A_127 = vector.shape_cast %get3A_126 : vector<128xf32> to vector<1x128xf32>
      %add3A_128 = vector.broadcast %broadcast_in_dim3A_127 : vector<1x128xf32> to vector<128x128xf32>
      %add3A_129 = arith.addf %dot_general3A_122, %add3A_128 : vector<128x128xf32>
      %slice3A = vector.extract_strided_slice %add3A_129 {offsets = [0, 0], sizes = [128, 1], strides = [1, 1]} : vector<128x128xf32> to vector<128x1xf32>
      %slice3A_130 = vector.extract_strided_slice %add3A_129 {offsets = [0, 1], sizes = [128, 1], strides = [1, 1]} : vector<128x128xf32> to vector<128x1xf32>
      %max3A_131 = arith.maximumf %slice3A, %slice3A_130 : vector<128x1xf32>
      %sub3A_132 = arith.subf %slice3A, %max3A_131 : vector<128x1xf32>
      %exp3A = math.exp %sub3A_132 : vector<128x1xf32>
      %sub3A_133 = arith.subf %slice3A_130, %max3A_131 : vector<128x1xf32>
      %exp3A_134 = math.exp %sub3A_133 : vector<128x1xf32>
      %add3A_135 = arith.addf %exp3A, %exp3A_134 : vector<128x1xf32>
      %log3A = math.log %add3A_135 : vector<128x1xf32>
      %add3A_136 = arith.addf %max3A_131, %log3A : vector<128x1xf32>
      %sub3A_137 = arith.subf %add3A_136, %slice3A : vector<128x1xf32>
      %get3A_138 = arith.constant 0 : index
      %get3A_139 = arith.constant 0 : index
      %get3A_140 = vector.load %arg15[%get3A_138, %get3A_139] : memref<128x1xf32, #tpu.memory_space<vmem>>, vector<128x1xf32>
      %gt3A_141 = arith.constant 0.000000e+00 : f32
      %gt3A_142 = vector.broadcast %gt3A_141 : f32 to vector<128x1xf32>
      %gt3A_143 = arith.cmpf ogt, %get3A_140, %gt3A_142 : vector<128x1xf32>
      %convert_element_type3A_144 = arith.extui %gt3A_143 : vector<128x1xi1> to vector<128x1xi32>
      %convert_element_type3A_145 = arith.sitofp %convert_element_type3A_144 : vector<128x1xi32> to vector<128x1xf32>
      %get3A_146 = arith.constant 0 : index
      %get3A_147 = arith.constant 0 : index
      %get3A_148 = vector.load %arg6[%get3A_146, %get3A_147] : memref<128x1xf32, #tpu.memory_space<vmem>>, vector<128x1xf32>
      %mul3A_149 = arith.mulf %get3A_148, %convert_element_type3A_145 : vector<128x1xf32>
      %mul3A_150 = arith.mulf %sub3A_137, %mul3A_149 : vector<128x1xf32>
      %reduce_sum3A_151 = vector.shape_cast %mul3A_150 : vector<128x1xf32> to vector<1x128x1xf32>
      %reduce_sum3A_152 = arith.constant dense<0.000000e+00> : vector<1xf32>
      %reduce_sum3A_153 = vector.multi_reduction <add>, %reduce_sum3A_151, %reduce_sum3A_152 [1, 2] : vector<1x128x1xf32> to vector<1xf32>
      %reduce_sum3A_154 = vector.shape_cast %reduce_sum3A_153 : vector<1xf32> to vector<1x1x1xf32>
      %reduce_sum3A_155 = vector.extract %reduce_sum3A_154[0, 0, 0] : f32 from vector<1x1x1xf32>
      %mul3A_156 = arith.constant 1.562500e-01 : f32
      %mul3A_157 = arith.mulf %reduce_sum3A_155, %mul3A_156 : f32
      %reshape3A = vector.broadcast %mul3A_157 : f32 to vector<1x1xf32>
      %swap3A_158 = arith.constant 0 : index
      %swap3A_159 = arith.constant 0 : index
      %swap3A_160 = vector.load %arg14[%swap3A_158, %swap3A_159] : memref<1x1xf32, #tpu.memory_space<vmem>>, vector<1x1xf32>
      tpu.vector_store %arg14[%swap3A_158, %swap3A_159], %reshape3A {strides = array<i32>} : memref<1x1xf32, #tpu.memory_space<vmem>>, vector<1x1xf32>,
    } else {
    }
    return
  }
  func.func @transform_0(%arg0: i32) -> (i32, i32) {
    %c0_i32 = arith.constant 0 : i32
    %c0_i32_0 = arith.constant 0 : i32
    return %arg0, %c0_i32 : i32, i32
  }
  func.func @transform_1(%arg0: i32) -> (i32, i32, i32) {
    %c0_i32 = arith.constant 0 : i32
    %c0_i32_0 = arith.constant 0 : i32
    %c0_i32_1 = arith.constant 0 : i32
    return %arg0, %c0_i32, %c0_i32_0 : i32, i32, i32
  }
  func.func @transform_2(%arg0: i32) -> (i32, i32) {
    %c0_i32 = arith.constant 0 : i32
    %c0_i32_0 = arith.constant 0 : i32
    %c0_i32_1 = arith.constant 0 : i32
    return %c0_i32, %c0_i32_0 : i32, i32
  }
  func.func @transform_3(%arg0: i32) -> (i32, i32) {
    %c0_i32 = arith.constant 0 : i32
    %c0_i32_0 = arith.constant 0 : i32
    %c0_i32_1 = arith.constant 0 : i32
    return %c0_i32, %c0_i32_0 : i32, i32
  }
  func.func @transform_4(%arg0: i32) -> (i32, i32) {
    %c0_i32 = arith.constant 0 : i32
    %c0_i32_0 = arith.constant 0 : i32
    %c0_i32_1 = arith.constant 0 : i32
    return %c0_i32, %c0_i32_0 : i32, i32
  }
  func.func @transform_5(%arg0: i32) -> (i32, i32) {
    %c0_i32 = arith.constant 0 : i32
    %c0_i32_0 = arith.constant 0 : i32
    %c0_i32_1 = arith.constant 0 : i32
    return %c0_i32, %c0_i32_0 : i32, i32
  }
  func.func @transform_6(%arg0: i32) -> (i32, i32) {
    %c0_i32 = arith.constant 0 : i32
    %c0_i32_0 = arith.constant 0 : i32
    %c0_i32_1 = arith.constant 0 : i32
    return %c0_i32, %c0_i32_0 : i32, i32
  }
  func.func @transform_7(%arg0: i32) -> (i32, i32) {
    %c0_i32 = arith.constant 0 : i32
    %c0_i32_0 = arith.constant 0 : i32
    %c0_i32_1 = arith.constant 0 : i32
    return %c0_i32, %c0_i32_0 : i32, i32
  }
  func.func @transform_8(%arg0: i32) -> (i32, i32) {
    %c0_i32 = arith.constant 0 : i32
    %c0_i32_0 = arith.constant 0 : i32
    %c0_i32_1 = arith.constant 0 : i32
    return %c0_i32, %c0_i32_0 : i32, i32
  }
  func.func @transform_9(%arg0: i32) -> (i32, i32) {
    %c0_i32 = arith.constant 0 : i32
    %c0_i32_0 = arith.constant 0 : i32
    %c0_i32_1 = arith.constant 0 : i32
    return %c0_i32, %c0_i32_0 : i32, i32
  }
  func.func @transform_10(%arg0: i32) -> (i32, i32) {
    %c0_i32 = arith.constant 0 : i32
    %c0_i32_0 = arith.constant 0 : i32
    %c0_i32_1 = arith.constant 0 : i32
    return %c0_i32, %c0_i32_0 : i32, i32
  }
  func.func @transform_11(%arg0: i32) -> (i32, i32) {
    %c0_i32 = arith.constant 0 : i32
    %c0_i32_0 = arith.constant 0 : i32
    %c0_i32_1 = arith.constant 0 : i32
    return %c0_i32, %c0_i32_0 : i32, i32
  }
  func.func @transform_12(%arg0: i32) -> (i32, i32) {
    %c0_i32 = arith.constant 0 : i32
    %c0_i32_0 = arith.constant 0 : i32
    %c0_i32_1 = arith.constant 0 : i32
    return %c0_i32, %c0_i32_0 : i32, i32
  }
  func.func @transform_13(%arg0: i32) -> (i32, i32) {
    %c0_i32 = arith.constant 0 : i32
    %c0_i32_0 = arith.constant 0 : i32
    %c0_i32_1 = arith.constant 0 : i32
    return %c0_i32, %c0_i32_0 : i32, i32
  }
}

</mosaic_0001>

<sc_bundles>
// kernel: _run.4.cloned.1.call-start
scs
__scs_entry_jumppad:
0x0: {  	(pc) =	sbr.rel $0x88, $3  }
0x1: {  	(tag) =	ssettag $0x0;
	lr =	simm.s32 $0x1  }
0x2: {  	[smem:$0x3F94] =	sst lr;
	_ =	strace $0xD0000000  }
0x3: {  	_ = 	snop  }
0x4: {  	_ = 	snop  }
0x5: {  	_ = 	snop  }
0x6: {  	_ = 	snop  }
0x7: {  	_ = 	snop  }
__scs_overlays_trampoline_lowered:
0x8: {  	[smem:$0x3FA3] =	sst s0  }
0x9: {  	[smem:$0x3FA4] =	sst s1  }
0xa: {  	[smem:$0x3FA5] =	sst s2  }
0xb: {  	[smem:$0x3FA6] =	sst s3  }
0xc: {  	[smem:$0x3FA7] =	sst s4  }
0xd: {  	[smem:$0x3FA8] =	sst s5  }
0xe: {  	[smem:$0x3FA9] =	sst s6  }
0xf: {  	[smem:$0x3FAA] =	sst s7  }
0x10: {  	[smem:$0x3FAB] =	sst s8  }
0x11: {  	[smem:$0x3FAC] =	sst s9;
	s0 =	simm.s32 @!p0 $0x0  }
0x12: {  	s1 =	sld [smem:$0x3F92];
	s0 =	simm.s32 @p0 $0x1  }
0x13: {  	[smem:$0x3FAD] =	sst s0;
	s0 =	simm.s32 @!p1 $0x0  }
0x14: {  	s2 =	sld [smem:$0x3F91];
	s0 =	simm.s32 @p1 $0x1  }
0x15: {  	[smem:$0x3FAE] =	sst s0;
	s0 =	simm.s32 @!p2 $0x0  }
0x16: {  	s3 =	sld [smem:$0x3FDB];
	s0 =	simm.s32 @p2 $0x1  }
0x17: {  	s4 =	simm.s32 $0x1BF5;
	[smem:$0x3FB0] =	sst s0  }
0x18: {  	s0 =	sld [smem:$0x3F93];
	_ =	swait.ge [sflag:s4], $0x0  }
0x19: {  	s7 =	sld [smem:$0x3F94]  }
0x1a: {  	s8 =	sadd.s32 $0xFFFFE003, lr  }
0x1b: {  	s9 =	sadd.s32 $0xFFFFFEF7, lr;
	s5 =	simm.s32 $0xFFFFFFFF;
	p2 =	slt.u32 s8, $0xFFFFF086  }
0x1c: {  	p1 =	slt.u32 s9, $0xF7A;
	s5 =	simm.s32 @!p2 $0x0  }
0x1d: {  	s5 =	simm.s32 @p1 $0x1;
	p0 =	seq.s32 s7, s2  }
0x1e: {  	s7 =	smul.u32 @!p0 $0xF7A, s2;
	p2 =	seq.s32 @!p0 s5, $0x0  }
0x1f: {  	s9 =	smul.u32 $0xF7A, s1;
	s8 =	simm.s32 @!p0 $0x1BF5;
	p2 =	por !p2, p0  }
0x20: {  	[sflag:s8] =	ssyncset.s32 @!p0 $0xFFFFF086;
	s6 =	sadd.s32 @!p0 s3, s7;
	s7 =	simm.s32 @!p0 $0x108  }
0x21: {  	s3 =	sadd.s32 s3, s9;
	s6 =	sadd.s32 @!p0 $0x88, s6;
	s7 =	simm.s32 @p2 $0x1082  }
0x22: {  	[simem:s7], [sflag:s8] =	dma.local @!p0 [hbm:s6], $0xF7A  }
0x23: {  	s9 =	sor.u32 $0xD0000000, s2;
	s6 =	simm.s32 $0x108;
	_ =	swait.ge @!p0 [sflag:s8], $0x0  }
0x24: {  	s3 =	sadd.s32 $0x88, s3;
	s6 =	simm.s32 @!p1 $0x1082;
	[sflag:s4] =	ssyncset.s32 $0xFFFFF086  }
0x25: {  	[simem:s6], [sflag:s4] =	dma.local [hbm:s3], $0xF7A  }
0x26: {  	[smem:$0x3F94] =	sst s1;
	(tag) =	ssettag s2;
	_ =	strace s9  }
0x27: {  	s1 =	sld [smem:$0x3FA4]  }
0x28: {  	s2 =	sld [smem:$0x3FA5]  }
0x29: {  	s4 =	sld [smem:$0x3FA7]  }
0x2a: {  	p0 =	seq.s32 s5, $0x0;
	s5 =	sld [smem:$0x3FA8]  }
0x2b: {  	s6 =	sld [smem:$0x3FA9]  }
0x2c: {  	s7 =	sld [smem:$0x3FAA]  }
0x2d: {  	s3 =	simm.s32 $0x108;
	s8 =	sld [smem:$0x3FAB]  }
0x2e: {  	s3 =	simm.s32 @!p0 $0x1082;
	s9 =	sld [smem:$0x3FAC]  }
0x2f: {  	lr =	sadd.s32 s0, s3;
	s0 =	sld [smem:$0x3FA3]  }
0x30: {  	s3 =	sld [smem:$0x3FA6]  }
0x31: {  	[smem:$0x3FAF] =	sst s10  }
0x32: {  	s10 =	sld [smem:$0x3FAD];
	_ =	sdelay $0x3  }
0x33: {  	p0 =	seq.s32 s10, $0x1;
	s10 =	sld [smem:$0x3FAF];
	_ =	sdelay $0x3  }
0x34: {  	[smem:$0x3FAF] =	sst s10  }
0x35: {  	s10 =	sld [smem:$0x3FAE];
	_ =	sdelay $0x3  }
0x36: {  	p1 =	seq.s32 s10, $0x1;
	s10 =	sld [smem:$0x3FAF];
	_ =	sdelay $0x3  }
0x37: {  	[smem:$0x3FAF] =	sst s10  }
0x38: {  	s10 =	sld [smem:$0x3FB0]  }
0x39: {  	_ = 	snop;
	(pc) =	sbr.ind lr, $3  }
0x3a: {  	_ = 	snop  }
0x3b: {  	_ = 	snop  }
0x3c: {  	p2 =	seq.s32 s10, $0x1;
	s10 =	sld [smem:$0x3FAF]  }
0x3d: {  	_ =	shalt  }
0x3e: {  	_ =	shalt  }
0x3f: {  	_ =	shalt  }
0x40: {  	_ =	shalt  }
0x41: {  	_ =	shalt  }
0x42: {  	_ =	shalt  }
0x43: {  	_ =	shalt  }
0x44: {  	_ =	shalt  }
0x45: {  	_ =	shalt  }
0x46: {  	_ =	shalt  }
0x47: {  	_ =	shalt  }
0x48: {  	_ =	shalt  }
0x49: {  	_ =	shalt  }
0x4a: {  	_ =	shalt  }
0x4b: {  	_ =	shalt  }
0x4c: {  	_ =	shalt  }
0x4d: {  	_ =	shalt  }
0x4e: {  	_ =	shalt  }
0x4f: {  	_ =	shalt  }
0x50: {  	_ =	shalt  }
0x51: {  	_ =	shalt  }
0x52: {  	_ =	shalt  }
0x53: {  	_ =	shalt  }
0x54: {  	_ =	shalt  }
0x55: {  	_ =	shalt  }
0x56: {  	_ =	shalt  }
0x57: {  	_ =	shalt  }
0x58: {  	_ =	shalt  }
0x59: {  	_ =	shalt  }
0x5a: {  	_ =	shalt  }
0x5b: {  	_ =	shalt  }
0x5c: {  	_ =	shalt  }
0x5d: {  	_ =	shalt  }
0x5e: {  	_ =	shalt  }
0x5f: {  	_ =	shalt  }
0x60: {  	_ =	shalt  }
0x61: {  	_ =	shalt  }
0x62: {  	_ =	shalt  }
0x63: {  	_ =	shalt  }
0x64: {  	_ =	shalt  }
0x65: {  	_ =	shalt  }
0x66: {  	_ =	shalt  }
0x67: {  	_ =	shalt  }
0x68: {  	_ =	shalt  }
0x69: {  	_ =	shalt  }
0x6a: {  	_ =	shalt  }
0x6b: {  	_ =	shalt  }
0x6c: {  	_ =	shalt  }
0x6d: {  	_ =	shalt  }
0x6e: {  	_ =	shalt  }
0x6f: {  	_ =	shalt  }
0x70: {  	_ =	shalt  }
0x71: {  	_ =	shalt  }
0x72: {  	_ =	shalt  }
0x73: {  	_ =	shalt  }
0x74: {  	_ =	shalt  }
0x75: {  	_ =	shalt  }
0x76: {  	_ =	shalt  }
0x77: {  	_ =	shalt  }
0x78: {  	_ =	shalt  }
0x79: {  	_ =	shalt  }
0x7a: {  	_ =	shalt  }
0x7b: {  	_ =	shalt  }
0x7c: {  	_ =	shalt  }
0x7d: {  	_ =	shalt  }
0x7e: {  	_ =	shalt  }
0x7f: {  	_ =	shalt  }
0x80: {  	_ =	shalt  }
0x81: {  	_ =	shalt  }
0x82: {  	_ =	shalt  }
0x83: {  	_ =	shalt  }
0x84: {  	_ =	shalt  }
0x85: {  	_ =	shalt  }
0x86: {  	_ =	shalt  }
0x87: {  	_ =	shalt  }
.Lfunc_end0:
.L_simem_size_0:
called_computation_lowered:
.L_overlay_start_0:
0x88: {  	s2 =	sld [smem:$0x3FD9]  }
0x89: {  	s3 =	sld [smem:$0x3FFE];
	_ =	sdelay $0x1  }
0x8a: {  	s1 =	srdreg.scid  }
0x8b: {  	s0 =	sand.u32 $0x1, s1  }
0x8c: {  	s17 =	sshll.u32 s0, $0xA;
	s2 =	sadd.s32 s3, s2  }
0x8d: {  	s2 =	sadd.s32 s2, s17  }
0x8e: {  	[smem:$0x3FBB] =	sst s2  }
0x8f: {  	_ = 	snop  }
0x90: {  	s2 =	sld [smem:$0x3FC9]  }
0x91: {  	s18 =	sld [smem:$0x3FC8];
	(tm) =	ssettm $0x1  }
0x92: {  	s4 =	sld [smem:$0x3FFB];
	_ =	sdelay $0x3  }
0x93: {  	_ =	strace s4  }
0x94: {  	s4 =	sld [smem:$0x3FFC];
	_ =	sdelay $0x3  }
0x95: {  	_ =	strace s4  }
0x96: {  	s4 =	sld [smem:$0x3FFD];
	_ =	sdelay $0x3  }
0x97: {  	_ =	strace s4  }
0x98: {  	_ =	strace $0x8FFFFFFF  }
0x99: {  	s19 =	sld [smem:$0x3FDB];
	_ =	sdelay $0x1  }
0x9a: {  	s5 =	simm.s32 $_scs_section_size  }
0x9b: {  	s6 =	simm.s32 $_size__tile_overlayer_lowered;
	s7 =	simm.s32 $_tile_overlayer_lowered  }
0x9c: {  	s22 =	simm.s32 $0x1BFF;
	s21 =	sshll.u32 s7, $0x1;
	s4 =	sadd.s32 s5, s19  }
0x9d: {  	s8 =	simm.s32 $0x0;
	s20 =	sshll.u32 s6, $0x1;
	s6 =	sadd.s32 s21, s4  }
0x9e: {  	[timem:s8], [sflag:s22] =	dma.local [hbm:s6], s20  }
0x9f: {  	_ =	swait.ge [sflag:s22], s20  }
0xa0: {  	s5 =	ssub.s32 $0x0, s20;
	[sflag:s22] =	ssyncset.done $0x0  }
0xa1: {  	[sflag:s22] =	ssyncadd.s32 s5;
	_ =	sdelay $0x1  }
0xa2: {  	s23 =	simm.s32 $0x1B8B  }
0xa3: {  	_ =	swait.ge [sflag:s23], $0x1  }
0xa4: {  	[sflag:s23] =	ssyncset.done $0x0  }
0xa5: {  	s25 =	simm.s32 $0x1B8E;
	s24 =	sld [smem:$0x3FFE];
	[sflag:s23] =	ssyncadd.s32 $0xFFFFFFFF  }
0xa6: {  	s26 =	simm.s32 $execute0_lowered;
	[smem:$0x3FD2] =	sst s25  }
0xa7: {  	s6 =	sshll.u32 s26, $0x1;
	_ =	strace $0x80000046;
	[dreg:$0x1] =	wrdreg $0xFFFFFFFF  }
0xa8: {  	s28 =	simm.s32 $_size_execute0_lowered;
	s4 =	sadd.s32 s4, s6;
	[dreg:$0x0] =	wrdreg $0x0  }
0xa9: {  	s6 =	sshll.u32 s28, $0x1;
	[dreg:$0x2] =	wrdreg s4  }
0xaa: {  	[dreg:$0x3] =	wrdreg s6  }
0xab: {  	[dreg:$0x4] =	wrdreg $0xC0  }
0xac: {  	_ =	task [dreg:s8], $0x5FFFF  }
0xad: {  	[dreg:$0x1] =	wrdreg $0xFFFFFFFF  }
0xae: {  	[dreg:$0x0] =	wrdreg $0x60  }
0xaf: {  	[dreg:$0x2] =	wrdreg s18  }
0xb0: {  	[dreg:$0x3] =	wrdreg s2  }
0xb1: {  	[dreg:$0x4] =	wrdreg s24  }
0xb2: {  	[dreg:$0x5] =	wrdreg $0x9  }
0xb3: {  	_ =	task.clear_ibuf [dreg:s8], $0x6FFFF;
	_ =	strace $0x90000046  }
0xb4: {  	s29 =	simm.s32 $0x9;
	_ =	strace $0x80000048  }
0xb5: {  	_ =	swait.ge [sflag:s29], $0x1  }
0xb6: {  	[sflag:s29] =	ssyncadd.s32 $0xFFFFFFFF  }
0xb7: {  	_ =	strace $0x90000048  }
0xb8: {  	_ =	sfence  }
0xb9: {  	s30 =	sld [smem:$0x0];
	_ =	sdelay $0x2  }
0xba: {  	s31 =	sshll.u32 s1, $0xD;
	s1 =	sshrl.u32 s1, $0x2  }
0xbb: {  	s3 =	sand.u32 $0x4000, s31;
	s1 =	sadd.s32 s1, s30  }
0xbc: {  	s0 =	sor.u32 s3, s0;
	s1 =	sshll.u32 s1, $0x11  }
0xbd: {  	s0 =	sor.u32 s1, s0  }
0xbe: {  	s0 =	sadd.s32 $0x8F2B, s0  }
0xbf: {  	[sflag:s0] =	ssyncadd.remote.s32 $0x1  }
0xc0: {  	_ =	sfence.sel $0xFFFF  }
0xc1: {  	[dreg:$0x0] =	wrdreg $0xFFFFFFFF;
	(pc) =	sbr.abs _section_cstart, $3  }
0xc2: {  	[dreg:$0x1] =	wrdreg $0xFFFFFFFF  }
0xc3: {  	_ =	task.clear_ibuf [dreg:s8], $0x2FFFF;
	_ =	strace $0x9FFFFFFF  }
0xc4: {  	(tm) =	ssettm $0x7FFFFFFF  }
0xc5: {  	_ =	shalt  }
tec
execute0_lowered:
.L_overlay_start_1:
0x0: {  	(tag) =	ssettag $0x1  }
0x1: {  	s1 =	stileid.u32  }
0x2: {  	p0 =	sgt.u32 s1, $0x3  }
.Ltmp0:
0x3: {  	s2 =	rddreg [dreg:$0x0];
	(pc) =	sbr.rel @p0 .LBB2_4-.Ltmp0, $4  }
0x4: {  	s4 =	rddreg [dreg:$0x1]  }
0x5: {  	s8 =	rddreg [dreg:$0x2];
	s3 =	simm.s32 $0x0  }
0x6: {  	[smem:$0x7FF] =	sst s3  }
0x7: {  	s0 =	rddreg [dreg:$0x3];
	_ =	strace $0x80000047  }
0x8: {  	s5 =	srdreg.scid  }
0x9: {  	s30 =	sshll.u32 s1, $0x1;
	s6 =	sand.u32 $0x1, s5  }
0xa: {  	s9 =	sor.u32 s6, s30  }
0xb: {  	s5 =	sadd.s32 s4, s9;
	s4 =	simm.s32 $0x2  }
0xc: {  	[tilespmem:s3], [sflag:$0x2] =	stream.linear.gather [hbm4b:s5+s3], $0x8, $0x38;
	[tilespmem:$0x880] =	vst v63  }
0xd: {  	_ =	swait.ge [sflag:s4], $0x8  }
0xe: {  	[sflag:s4] =	ssyncset.done $0x0  }
0xf: {  	[sflag:s4] =	ssyncadd.s32 $0xFFFFFFF8  }
0x10: {  	v0 =	vld.msk [tilespmem:$0x0], $0xff;
	_ =	sdelay $0x4  }
0x11: {  	v1 =	vshll.u32 v0, $0x1  }
0x12: {  	v2 =	vlaneseq.u32;
	v3 =	vand.u32 $0x7, v0;
	v1 =	vand.u32 $0xFFFFFFF0, v1  }
0x13: {  	v0 =	vand.u32 $0x7, v2;
	v2 =	vshrl.u32 v2, $0x3;
	v3 =	vor.u32 v3, v1  }
0x14: {  	v1 =	vmul.u32 $0x8, v2;
	v2 =	vperm.xlane v3, v0;
	_ =	sdelay $0x1  }
0x15: {  	v2 =	vadd.s32 v1, v2  }
0x16: {  	s10 =	ssub.s32 $0x2, s6  }
0x17: {  	s11 =	sshrl.u32 s10, $0x1  }
0x18: {  	s7 =	simm.s32 $0x1;
	s9 =	sshll.u32 s9, $0x8;
	s31 =	ssub.s32 s10, s11  }
0x19: {  	vm0 =	vmmov $0xffff;
	s6 =	simm.s32 $0x80;
	s8 =	sadd.s32 s9, s8;
	s9 =	smax.u32 s31, $0x1  }
0x1a: {  	[tilespmem:s6], [sflag:$0x1] =	stream.indirect_vreg.gather [hbm4b:s2+s3], $0x80, v2, vm0, $0xb8;
	[tilespmem:$0x880] =	vst v63  }
0x1b: {  	p0 =	sne.s32 s9, $0x1;
	_ =	swait.ge [sflag:s7], $0x800  }
.Ltmp1:
0x1c: {  	[sflag:s7] =	ssyncset.done $0x0;
	(pc) =	sbr.rel @!p0 .LBB2_3-.Ltmp1, $4  }
0x1d: {  	s8 =	sadd.s32 $0x1000, s8;
	[sflag:s7] =	ssyncadd.s32 $0xFFFFF800  }
0x1e: {  	[hbm4b:s8+s3] =	stream.linear.scatter [tilespmem:s6], [sflag:$0x2], $0x800, $0x38;
	[tilespmem:$0x880] =	vst v63  }
0x1f: {  	_ =	swait.ge [sflag:s4], $0x800  }
0x20: {  	s9 =	sadd.s32 $0xFFFFFFFF, s9;
	[sflag:s4] =	ssyncset.done $0x0  }
.LBB2_2:
0x21: {  	p0 =	sne.s32 s9, $0x1;
	s9 =	sadd.s32 $0xFFFFFFFF, s9;
	[sflag:s4] =	ssyncadd.s32 $0xFFFFF800  }
0x22: {  	[tilespmem:s3], [sflag:$0x2] =	stream.linear.gather [hbm4b:s5+s3], $0x8, $0x38;
	[tilespmem:$0x880] =	vst v63  }
0x23: {  	_ =	swait.ge [sflag:s4], $0x8  }
0x24: {  	[sflag:s4] =	ssyncset.done $0x0  }
0x25: {  	[sflag:s4] =	ssyncadd.s32 $0xFFFFFFF8  }
0x26: {  	v2 =	vld.msk [tilespmem:$0x0], $0xff;
	_ =	sdelay $0x4  }
0x27: {  	v3 =	vshll.u32 v2, $0x1  }
0x28: {  	v2 =	vand.u32 $0x7, v2;
	v3 =	vand.u32 $0xFFFFFFF0, v3  }
0x29: {  	v2 =	vor.u32 v2, v3  }
0x2a: {  	v2 =	vperm.xlane v2, v0;
	_ =	sdelay $0x1  }
0x2b: {  	v2 =	vadd.s32 v1, v2;
	_ =	sdelay $0x4  }
0x2c: {  	[tilespmem:s6], [sflag:$0x1] =	stream.indirect_vreg.gather [hbm4b:s2+s3], $0x80, v2, vm0, $0xb8;
	[tilespmem:$0x880] =	vst v63  }
0x2d: {  	_ =	swait.ge [sflag:s7], $0x800  }
.Ltmp2:
0x2e: {  	[sflag:s7] =	ssyncset.done $0x0;
	(pc) =	sbr.rel @p0 .LBB2_2-.Ltmp2, $4  }
0x2f: {  	[sflag:s7] =	ssyncadd.s32 $0xFFFFF800  }
0x30: {  	[hbm4b:s8+s3] =	stream.linear.scatter [tilespmem:s6], [sflag:$0x2], $0x800, $0x38;
	[tilespmem:$0x880] =	vst v63  }
0x31: {  	_ =	swait.ge [sflag:s4], $0x800  }
0x32: {  	[sflag:s4] =	ssyncset.done $0x0  }
.LBB2_3:
0x33: {  	[sflag:s4] =	ssyncadd.s32 $0xFFFFF800  }
.LBB2_4:
0x34: {  	_ =	sfence.sel $0x180000  }
0x35: {  	[bflag:$0x0] =	sbarrier.arrive $0xFFFF  }
0x36: {  	p0 =	sne.s32 s1, $0x0;
	_ =	strace $0x90000047  }
0x37: {  	s0 =	sadd.s32 @!p0 $0x100000, s0;
	[bflag:$0x2] =	sbarrier.arrive $0xFFFF  }
0x38: {  	[sflag:s0] =	ssyncadd.tile.s32 @!p0 $0x1;
	_ =	shalt  }
.Lfunc_end2:
_tile_overlayer_lowered:
.L_overlay_start_2:
0x39: {  	(tag) =	ssettag $0x2  }
0x3a: {  	s0 =	rddreg [dreg:$0x0];
	s2 =	stileid.u32  }
0x3b: {  	s1 =	rddreg [dreg:$0x1];
	p0 =	sne.s32 s2, $0x0  }
0x3c: {  	s3 =	rddreg [dreg:$0x2];
	[bflag:$0x3] =	sbarrier.arrive $0xFFFF;
	s2 =	simm.s32 @!p0 $0x1C02  }
0x3d: {  	[timem:s3], [sflag:s2] =	dma.local @!p0 [hbm:s0], s1  }
0x3e: {  	s0 =	simm.s32 @!p0 $0x2  }
0x3f: {  	_ =	swait.ge @!p0 [sflag:s0], s1  }
0x40: {  	s1 =	ssub.s32 @!p0 $0x0, s1;
	[sflag:s0] =	ssyncset.done @!p0 $0x0  }
0x41: {  	[sflag:s0] =	ssyncadd.s32 @!p0 s1  }
0x42: {  	[bflag:$0x3] =	sbarrier.arrive $0xFFFF  }
0x43: {  	_ =	shalt  }

</sc_bundles>
